<compile_context>
chip_gen: v7x
topology: tpu7x:2x2x1
jax: 0.10.2.dev20260603
libtpu: 0.0.44.dev20260713+nightly
codegen_flags: <defaults>
</compile_context>

<pallas_src>
import functools

import jax
import jax.numpy as jnp
from jax import lax
from jax.experimental import pallas as pl
from jax.experimental.pallas import tpu as pltpu
from jax.experimental.pallas import tpu_sc as plsc

_DIM = 128
_LEVELS = 16
_CLIP = 3.0 / (_DIM ** 0.5)
_STEP = 2.0 * _CLIP / (_LEVELS - 1)
_INV_STEP = 1.0 / _STEP

_NC = 2
_NS = 16
_NW = _NC * _NS
_LANES = 16
_CHUNK = 16384


_MAGIC = float(1.5 * 2 ** 23)


def _quantize_vec(v):
    t = v * _INV_STEP + (_LEVELS / 2.0 - 0.5)
    t = jnp.minimum(jnp.maximum(t, 0.0), float(_LEVELS - 1))
    idx = (t + _MAGIC) - _MAGIC
    return idx * _STEP - _CLIP


def kernel(y):
    n = y.size
    assert n % (_NW * 2 * _CHUNK) == 0
    per_w = n // _NW
    chunks = per_w // _CHUNK

    mesh = plsc.VectorSubcoreMesh(
        core_axis_name="c", subcore_axis_name="s",
        num_cores=_NC, num_subcores=_NS)

    @functools.partial(
        pl.kernel,
        out_type=jax.ShapeDtypeStruct((n,), jnp.float32),
        mesh=mesh,
        scratch_types=[
            pltpu.VMEM((_CHUNK,), jnp.float32),
            pltpu.VMEM((_CHUNK,), jnp.float32),
            pltpu.VMEM((_CHUNK,), jnp.float32),
            pltpu.VMEM((_CHUNK,), jnp.float32),
            pltpu.SemaphoreType.DMA,
            pltpu.SemaphoreType.DMA,
            pltpu.SemaphoreType.DMA,
            pltpu.SemaphoreType.DMA,
        ],
    )
    def body(y_hbm, out_hbm, i0, i1, o0, o1, is0, is1, os0, os1):
        wid = lax.axis_index("s") * _NC + lax.axis_index("c")
        base = wid * per_w

        def start_in(c, buf, sem):
            pltpu.async_copy(y_hbm.at[pl.ds(base + c * _CHUNK, _CHUNK)],
                             buf, sem)

        def start_out(c, buf, sem):
            pltpu.async_copy(buf, out_hbm.at[pl.ds(base + c * _CHUNK, _CHUNK)],
                             sem)

        def wait_in(c, buf, sem):
            pltpu.make_async_copy(y_hbm.at[pl.ds(base + c * _CHUNK, _CHUNK)],
                                  buf, sem).wait()

        def wait_out(c, buf, sem):
            pltpu.make_async_copy(buf,
                                  out_hbm.at[pl.ds(base + c * _CHUNK, _CHUNK)],
                                  sem).wait()

        def compute(ibuf, obuf):
            @plsc.parallel_loop(0, _CHUNK // _LANES, unroll=16)
            def _vec(i):
                v = ibuf[pl.ds(i * _LANES, _LANES)]
                obuf[pl.ds(i * _LANES, _LANES)] = _quantize_vec(v)

        start_in(0, i0, is0)
        start_in(1, i1, is1)

        @pl.loop(0, chunks, step=2)
        def _pair(c):
            wait_in(c, i0, is0)

            @pl.when(c >= 2)
            def _(): wait_out(c - 2, o0, os0)
            compute(i0, o0)
            start_out(c, o0, os0)

            @pl.when(c + 2 < chunks)
            def _(): start_in(c + 2, i0, is0)

            wait_in(c + 1, i1, is1)

            @pl.when(c >= 1)
            def _(): wait_out(c - 1, o1, os1)
            compute(i1, o1)
            start_out(c + 1, o1, os1)

            @pl.when(c + 3 < chunks)
            def _(): start_in(c + 3, i1, is1)

        wait_out(chunks - 2, o0, os0)
        wait_out(chunks - 1, o1, os1)

    return body(y.reshape(-1)).reshape(y.shape)

# --- scband reference (transcript-rebuilt; emitter-appended) ---
"""Pipeline reference for scband-base-turbo-quant-1511828488436 (READ-ONLY COPY).

The authoritative reference and input builder live on the scoring server;
editing this copy changes nothing except your own understanding.
"""

import jax, jax.numpy as jnp
import numpy as np

DIM = 128
BITS = 4
CLIP_SIGMA = 3.0


def setup_inputs(seed: int = 0) -> dict:
    key = jax.random.key(seed)
    # y plays the role of the already-rotated activations fed to _quantize_rotated.
    # Scale by 1/sqrt(dim) so coordinates are on the same scale as the clip value
    # clip_sigma/sqrt(dim), matching unit-norm rotated vectors.
    y = jax.random.normal(key, (524288, DIM), dtype=jnp.float32) / np.sqrt(DIM)
    return {"y": y}


def reference(y):
    # Faithful translation of _BaseTurboQuant._quantize_rotated followed by
    # _dequantize_rotated (the implemented, runnable path of the base class).
    levels = 2 ** BITS
    clip = CLIP_SIGMA / (DIM ** 0.5)
    codebook = jnp.linspace(-clip, clip, levels, dtype=y.dtype)
    boundaries = (codebook[:-1] + codebook[1:]) * 0.5
    # torch.clamp(min=codebook[0], max=codebook[-1])
    y_clamped = jnp.clip(y, codebook[0], codebook[-1])
    # torch.bucketize(y_clamped, boundaries) with right=False == searchsorted side='left'
    idx = jnp.searchsorted(boundaries, y_clamped, side='left').astype(jnp.int32)
    # _dequantize_rotated: codebook gather
    y_hat = codebook[idx]
    return y_hat

if __name__ == "__main__":
    import jax
    _d = setup_inputs()
    print(jax.jit(kernel)(*tuple(_d.values())))

</pallas_src>

<mosaic_0001>
#map = affine_map<(d0, d1) -> (0)>
module attributes {stable_mosaic.version = 14 : i64} {
  func.func @body(%arg0: i32, %arg1: i32, %arg2: memref<67108864xf32, #tpu.memory_space<hbm>>, %arg3: memref<67108864xf32, #tpu.memory_space<hbm>>, %arg4: memref<16384xf32, #tpu.memory_space<vmem>>, %arg5: memref<16384xf32, #tpu.memory_space<vmem>>, %arg6: memref<16384xf32, #tpu.memory_space<vmem>>, %arg7: memref<16384xf32, #tpu.memory_space<vmem>>, %arg8: memref<!tpu.dma_semaphore, #tpu.memory_space<semaphore_mem>>, %arg9: memref<!tpu.dma_semaphore, #tpu.memory_space<semaphore_mem>>, %arg10: memref<!tpu.dma_semaphore, #tpu.memory_space<semaphore_mem>>, %arg11: memref<!tpu.dma_semaphore, #tpu.memory_space<semaphore_mem>>) attributes {dimension_semantics = [#tpu.dimension_semantics<core_parallel>, #tpu.dimension_semantics<subcore_parallel>], iteration_bounds = array<i64: 2, 16>, scalar_prefetch = 0 : i64, scratch_operands = 8 : i64, tpu.core_type = #tpu.core_type<sc_vector_subcore>, window_params = [{transform_indices = #map}, {transform_indices = #map}]} {
    %mul3A = arith.constant 2 : i32
    %mul3A_0 = arith.muli %arg1, %mul3A : i32
    %add3A = arith.addi %mul3A_0, %arg0 : i32
    %mul3A_1 = arith.constant 2097152 : i32
    %mul3A_2 = arith.muli %add3A, %mul3A_1 : i32
    %add3A_3 = arith.constant 0 : i32
    %add3A_4 = arith.addi %mul3A_2, %add3A_3 : i32
    %dma_start3A = tpu.memref_slice %arg2[%add3A_4] : memref<67108864xf32, #tpu.memory_space<hbm>> -> memref<16384xf32, #tpu.memory_space<hbm>>
    %dma_start3A_5 = tpu.memref_slice %arg2[%add3A_4] : memref<67108864xf32, #tpu.memory_space<hbm>> -> memref<16384xf32, #tpu.memory_space<hbm>>
    tpu.enqueue_dma source(%dma_start3A_5 : memref<16384xf32, #tpu.memory_space<hbm>>) target(%arg4 : memref<16384xf32, #tpu.memory_space<vmem>>) target_semaphore(%arg8 : memref<!tpu.dma_semaphore, #tpu.memory_space<semaphore_mem>>)
    %add3A_6 = arith.constant 16384 : i32
    %add3A_7 = arith.addi %mul3A_2, %add3A_6 : i32
    %dma_start3A_8 = tpu.memref_slice %arg2[%add3A_7] : memref<67108864xf32, #tpu.memory_space<hbm>> -> memref<16384xf32, #tpu.memory_space<hbm>>
    %dma_start3A_9 = tpu.memref_slice %arg2[%add3A_7] : memref<67108864xf32, #tpu.memory_space<hbm>> -> memref<16384xf32, #tpu.memory_space<hbm>>
    tpu.enqueue_dma source(%dma_start3A_9 : memref<16384xf32, #tpu.memory_space<hbm>>) target(%arg5 : memref<16384xf32, #tpu.memory_space<vmem>>) target_semaphore(%arg9 : memref<!tpu.dma_semaphore, #tpu.memory_space<semaphore_mem>>)
    %scan3A = arith.constant 0 : i32
    %scan3A_10 = arith.constant 64 : i32
    %scan3A_11 = arith.addi %scan3A, %scan3A_10 : i32
    %scan3A_12 = arith.constant 1 : i32
    scf.for %scan3A_21 = %scan3A to %scan3A_11 step %scan3A_12  : i32 {
      %mul3A_22 = arith.constant 2 : i32
      %mul3A_23 = arith.muli %scan3A_21, %mul3A_22 : i32
      %add3A_24 = arith.constant 0 : i32
      %add3A_25 = arith.addi %add3A_24, %mul3A_23 : i32
      %mul3A_26 = arith.constant 16384 : i32
      %mul3A_27 = arith.muli %add3A_25, %mul3A_26 : i32
      %add3A_28 = arith.addi %mul3A_2, %mul3A_27 : i32
      %dma_wait3A_29 = tpu.memref_slice %arg2[%add3A_28] : memref<67108864xf32, #tpu.memory_space<hbm>> -> memref<16384xf32, #tpu.memory_space<hbm>>
      %dma_wait3A_30 = tpu.memref_slice %arg2[%add3A_28] : memref<67108864xf32, #tpu.memory_space<hbm>> -> memref<16384xf32, #tpu.memory_space<hbm>>
      tpu.wait_dma2 semaphore(%arg8 : memref<!tpu.dma_semaphore, #tpu.memory_space<semaphore_mem>>) src(%dma_wait3A_30 : memref<16384xf32, #tpu.memory_space<hbm>>) dst(%arg4 : memref<16384xf32, #tpu.memory_space<vmem>>)
      %ge3A = arith.constant 2 : i32
      %ge3A_31 = arith.cmpi sge, %add3A_25, %ge3A : i32
      %convert_element_type3A = arith.extui %ge3A_31 : i1 to i32
      %cond3A = arith.constant 0 : i32
      %cond3A_32 = arith.cmpi ne, %convert_element_type3A, %cond3A : i32
      scf.if %cond3A_32 {
        %sub3A = arith.constant 2 : i32
        %sub3A_75 = arith.subi %add3A_25, %sub3A : i32
        %mul3A_76 = arith.constant 16384 : i32
        %mul3A_77 = arith.muli %sub3A_75, %mul3A_76 : i32
        %add3A_78 = arith.addi %mul3A_2, %mul3A_77 : i32
        %dma_wait3A_79 = tpu.memref_slice %arg3[%add3A_78] : memref<67108864xf32, #tpu.memory_space<hbm>> -> memref<16384xf32, #tpu.memory_space<hbm>>
        %dma_wait3A_80 = tpu.memref_slice %arg3[%add3A_78] : memref<67108864xf32, #tpu.memory_space<hbm>> -> memref<16384xf32, #tpu.memory_space<hbm>>
        tpu.wait_dma2 semaphore(%arg10 : memref<!tpu.dma_semaphore, #tpu.memory_space<semaphore_mem>>) src(%arg6 : memref<16384xf32, #tpu.memory_space<vmem>>) dst(%dma_wait3A_80 : memref<16384xf32, #tpu.memory_space<hbm>>)
      } else {
      }
      %parallel_loop3A = arith.constant 0 : i32
      %parallel_loop3A_33 = arith.constant 1024 : i32
      %parallel_loop3A_34 = arith.constant 1 : i32
      scf.for %parallel_loop3A_75 = %parallel_loop3A to %parallel_loop3A_33 step %parallel_loop3A_34  : i32 {
        %parallel_loop3A_76 = arith.constant 16 : i32
        %parallel_loop3A_77 = arith.muli %parallel_loop3A_75, %parallel_loop3A_76 : i32
        %parallel_loop3A_78 = arith.index_cast %parallel_loop3A_77 : i32 to index
        %parallel_loop3A_79 = tpu.vector_load %arg4[%parallel_loop3A_78] {strides = array<i32>} : memref<16384xf32, #tpu.memory_space<vmem>>, vector<16xf32>,
        %parallel_loop3A_80 = vector.shape_cast %parallel_loop3A_79 : vector<16xf32> to vector<16xf32>
        %parallel_loop3A_81 = arith.constant 28.2842712 : f32
        %parallel_loop3A_82 = vector.broadcast %parallel_loop3A_81 : f32 to vector<16xf32>
        %parallel_loop3A_83 = arith.mulf %parallel_loop3A_80, %parallel_loop3A_82 : vector<16xf32>
        %parallel_loop3A_84 = arith.constant 7.500000e+00 : f32
        %parallel_loop3A_85 = vector.broadcast %parallel_loop3A_84 : f32 to vector<16xf32>
        %parallel_loop3A_86 = arith.addf %parallel_loop3A_83, %parallel_loop3A_85 : vector<16xf32>
        %parallel_loop3A_87 = arith.constant 0.000000e+00 : f32
        %parallel_loop3A_88 = vector.broadcast %parallel_loop3A_87 : f32 to vector<16xf32>
        %parallel_loop3A_89 = arith.maximumf %parallel_loop3A_86, %parallel_loop3A_88 : vector<16xf32>
        %parallel_loop3A_90 = arith.constant 1.500000e+01 : f32
        %parallel_loop3A_91 = vector.broadcast %parallel_loop3A_90 : f32 to vector<16xf32>
        %parallel_loop3A_92 = arith.minimumf %parallel_loop3A_89, %parallel_loop3A_91 : vector<16xf32>
        %parallel_loop3A_93 = arith.constant 0x4B400000 : f32
        %parallel_loop3A_94 = vector.broadcast %parallel_loop3A_93 : f32 to vector<16xf32>
        %parallel_loop3A_95 = arith.addf %parallel_loop3A_92, %parallel_loop3A_94 : vector<16xf32>
        %parallel_loop3A_96 = arith.constant 0x4B400000 : f32
        %parallel_loop3A_97 = vector.broadcast %parallel_loop3A_96 : f32 to vector<16xf32>
        %parallel_loop3A_98 = arith.subf %parallel_loop3A_95, %parallel_loop3A_97 : vector<16xf32>
        %parallel_loop3A_99 = arith.constant 0.0353553407 : f32
        %parallel_loop3A_100 = vector.broadcast %parallel_loop3A_99 : f32 to vector<16xf32>
        %parallel_loop3A_101 = arith.mulf %parallel_loop3A_98, %parallel_loop3A_100 : vector<16xf32>
        %parallel_loop3A_102 = arith.constant 0.265165031 : f32
        %parallel_loop3A_103 = vector.broadcast %parallel_loop3A_102 : f32 to vector<16xf32>
        %parallel_loop3A_104 = arith.subf %parallel_loop3A_101, %parallel_loop3A_103 : vector<16xf32>
        %parallel_loop3A_105 = arith.constant 16 : i32
        %parallel_loop3A_106 = arith.muli %parallel_loop3A_75, %parallel_loop3A_105 : i32
        %parallel_loop3A_107 = arith.index_cast %parallel_loop3A_106 : i32 to index
        %parallel_loop3A_108 = tpu.vector_load %arg6[%parallel_loop3A_107] {strides = array<i32>} : memref<16384xf32, #tpu.memory_space<vmem>>, vector<16xf32>,
        %parallel_loop3A_109 = vector.shape_cast %parallel_loop3A_108 : vector<16xf32> to vector<16xf32>
        %parallel_loop3A_110 = vector.shape_cast %parallel_loop3A_104 : vector<16xf32> to vector<16xf32>
        tpu.vector_store %arg6[%parallel_loop3A_107], %parallel_loop3A_110 {strides = array<i32>} : memref<16384xf32, #tpu.memory_space<vmem>>, vector<16xf32>,
      } {sc.loop_unroll_factor = 16 : i64, sc.parallel_access}
      %mul3A_35 = arith.constant 16384 : i32
      %mul3A_36 = arith.muli %add3A_25, %mul3A_35 : i32
      %add3A_37 = arith.addi %mul3A_2, %mul3A_36 : i32
      %dma_start3A_38 = tpu.memref_slice %arg3[%add3A_37] : memref<67108864xf32, #tpu.memory_space<hbm>> -> memref<16384xf32, #tpu.memory_space<hbm>>
      %dma_start3A_39 = tpu.memref_slice %arg3[%add3A_37] : memref<67108864xf32, #tpu.memory_space<hbm>> -> memref<16384xf32, #tpu.memory_space<hbm>>
      tpu.enqueue_dma source(%arg6 : memref<16384xf32, #tpu.memory_space<vmem>>) target(%dma_start3A_39 : memref<16384xf32, #tpu.memory_space<hbm>>) target_semaphore(%arg10 : memref<!tpu.dma_semaphore, #tpu.memory_space<semaphore_mem>>)
      %add3A_40 = arith.constant 2 : i32
      %add3A_41 = arith.addi %add3A_25, %add3A_40 : i32
      %lt3A = arith.constant 128 : i32
      %lt3A_42 = arith.cmpi slt, %add3A_41, %lt3A : i32
      %convert_element_type3A_43 = arith.extui %lt3A_42 : i1 to i32
      %cond3A_44 = arith.constant 0 : i32
      %cond3A_45 = arith.cmpi ne, %convert_element_type3A_43, %cond3A_44 : i32
      scf.if %cond3A_45 {
        %add3A_75 = arith.constant 2 : i32
        %add3A_76 = arith.addi %add3A_25, %add3A_75 : i32
        %mul3A_77 = arith.constant 16384 : i32
        %mul3A_78 = arith.muli %add3A_76, %mul3A_77 : i32
        %add3A_79 = arith.addi %mul3A_2, %mul3A_78 : i32
        %dma_start3A_80 = tpu.memref_slice %arg2[%add3A_79] : memref<67108864xf32, #tpu.memory_space<hbm>> -> memref<16384xf32, #tpu.memory_space<hbm>>
        %dma_start3A_81 = tpu.memref_slice %arg2[%add3A_79] : memref<67108864xf32, #tpu.memory_space<hbm>> -> memref<16384xf32, #tpu.memory_space<hbm>>
        tpu.enqueue_dma source(%dma_start3A_81 : memref<16384xf32, #tpu.memory_space<hbm>>) target(%arg4 : memref<16384xf32, #tpu.memory_space<vmem>>) target_semaphore(%arg8 : memref<!tpu.dma_semaphore, #tpu.memory_space<semaphore_mem>>)
      } else {
      }
      %add3A_46 = arith.constant 1 : i32
      %add3A_47 = arith.addi %add3A_25, %add3A_46 : i32
      %mul3A_48 = arith.constant 16384 : i32
      %mul3A_49 = arith.muli %add3A_47, %mul3A_48 : i32
      %add3A_50 = arith.addi %mul3A_2, %mul3A_49 : i32
      %dma_wait3A_51 = tpu.memref_slice %arg2[%add3A_50] : memref<67108864xf32, #tpu.memory_space<hbm>> -> memref<16384xf32, #tpu.memory_space<hbm>>
      %dma_wait3A_52 = tpu.memref_slice %arg2[%add3A_50] : memref<67108864xf32, #tpu.memory_space<hbm>> -> memref<16384xf32, #tpu.memory_space<hbm>>
      tpu.wait_dma2 semaphore(%arg9 : memref<!tpu.dma_semaphore, #tpu.memory_space<semaphore_mem>>) src(%dma_wait3A_52 : memref<16384xf32, #tpu.memory_space<hbm>>) dst(%arg5 : memref<16384xf32, #tpu.memory_space<vmem>>)
      %ge3A_53 = arith.constant 1 : i32
      %ge3A_54 = arith.cmpi sge, %add3A_25, %ge3A_53 : i32
      %convert_element_type3A_55 = arith.extui %ge3A_54 : i1 to i32
      %cond3A_56 = arith.constant 0 : i32
      %cond3A_57 = arith.cmpi ne, %convert_element_type3A_55, %cond3A_56 : i32
      scf.if %cond3A_57 {
        %sub3A = arith.constant 1 : i32
        %sub3A_75 = arith.subi %add3A_25, %sub3A : i32
        %mul3A_76 = arith.constant 16384 : i32
        %mul3A_77 = arith.muli %sub3A_75, %mul3A_76 : i32
        %add3A_78 = arith.addi %mul3A_2, %mul3A_77 : i32
        %dma_wait3A_79 = tpu.memref_slice %arg3[%add3A_78] : memref<67108864xf32, #tpu.memory_space<hbm>> -> memref<16384xf32, #tpu.memory_space<hbm>>
        %dma_wait3A_80 = tpu.memref_slice %arg3[%add3A_78] : memref<67108864xf32, #tpu.memory_space<hbm>> -> memref<16384xf32, #tpu.memory_space<hbm>>
        tpu.wait_dma2 semaphore(%arg11 : memref<!tpu.dma_semaphore, #tpu.memory_space<semaphore_mem>>) src(%arg7 : memref<16384xf32, #tpu.memory_space<vmem>>) dst(%dma_wait3A_80 : memref<16384xf32, #tpu.memory_space<hbm>>)
      } else {
      }
      %parallel_loop3A_58 = arith.constant 0 : i32
      %parallel_loop3A_59 = arith.constant 1024 : i32
      %parallel_loop3A_60 = arith.constant 1 : i32
      scf.for %parallel_loop3A_75 = %parallel_loop3A_58 to %parallel_loop3A_59 step %parallel_loop3A_60  : i32 {
        %parallel_loop3A_76 = arith.constant 16 : i32
        %parallel_loop3A_77 = arith.muli %parallel_loop3A_75, %parallel_loop3A_76 : i32
        %parallel_loop3A_78 = arith.index_cast %parallel_loop3A_77 : i32 to index
        %parallel_loop3A_79 = tpu.vector_load %arg5[%parallel_loop3A_78] {strides = array<i32>} : memref<16384xf32, #tpu.memory_space<vmem>>, vector<16xf32>,
        %parallel_loop3A_80 = vector.shape_cast %parallel_loop3A_79 : vector<16xf32> to vector<16xf32>
        %parallel_loop3A_81 = arith.constant 28.2842712 : f32
        %parallel_loop3A_82 = vector.broadcast %parallel_loop3A_81 : f32 to vector<16xf32>
        %parallel_loop3A_83 = arith.mulf %parallel_loop3A_80, %parallel_loop3A_82 : vector<16xf32>
        %parallel_loop3A_84 = arith.constant 7.500000e+00 : f32
        %parallel_loop3A_85 = vector.broadcast %parallel_loop3A_84 : f32 to vector<16xf32>
        %parallel_loop3A_86 = arith.addf %parallel_loop3A_83, %parallel_loop3A_85 : vector<16xf32>
        %parallel_loop3A_87 = arith.constant 0.000000e+00 : f32
        %parallel_loop3A_88 = vector.broadcast %parallel_loop3A_87 : f32 to vector<16xf32>
        %parallel_loop3A_89 = arith.maximumf %parallel_loop3A_86, %parallel_loop3A_88 : vector<16xf32>
        %parallel_loop3A_90 = arith.constant 1.500000e+01 : f32
        %parallel_loop3A_91 = vector.broadcast %parallel_loop3A_90 : f32 to vector<16xf32>
        %parallel_loop3A_92 = arith.minimumf %parallel_loop3A_89, %parallel_loop3A_91 : vector<16xf32>
        %parallel_loop3A_93 = arith.constant 0x4B400000 : f32
        %parallel_loop3A_94 = vector.broadcast %parallel_loop3A_93 : f32 to vector<16xf32>
        %parallel_loop3A_95 = arith.addf %parallel_loop3A_92, %parallel_loop3A_94 : vector<16xf32>
        %parallel_loop3A_96 = arith.constant 0x4B400000 : f32
        %parallel_loop3A_97 = vector.broadcast %parallel_loop3A_96 : f32 to vector<16xf32>
        %parallel_loop3A_98 = arith.subf %parallel_loop3A_95, %parallel_loop3A_97 : vector<16xf32>
        %parallel_loop3A_99 = arith.constant 0.0353553407 : f32
        %parallel_loop3A_100 = vector.broadcast %parallel_loop3A_99 : f32 to vector<16xf32>
        %parallel_loop3A_101 = arith.mulf %parallel_loop3A_98, %parallel_loop3A_100 : vector<16xf32>
        %parallel_loop3A_102 = arith.constant 0.265165031 : f32
        %parallel_loop3A_103 = vector.broadcast %parallel_loop3A_102 : f32 to vector<16xf32>
        %parallel_loop3A_104 = arith.subf %parallel_loop3A_101, %parallel_loop3A_103 : vector<16xf32>
        %parallel_loop3A_105 = arith.constant 16 : i32
        %parallel_loop3A_106 = arith.muli %parallel_loop3A_75, %parallel_loop3A_105 : i32
        %parallel_loop3A_107 = arith.index_cast %parallel_loop3A_106 : i32 to index
        %parallel_loop3A_108 = tpu.vector_load %arg7[%parallel_loop3A_107] {strides = array<i32>} : memref<16384xf32, #tpu.memory_space<vmem>>, vector<16xf32>,
        %parallel_loop3A_109 = vector.shape_cast %parallel_loop3A_108 : vector<16xf32> to vector<16xf32>
        %parallel_loop3A_110 = vector.shape_cast %parallel_loop3A_104 : vector<16xf32> to vector<16xf32>
        tpu.vector_store %arg7[%parallel_loop3A_107], %parallel_loop3A_110 {strides = array<i32>} : memref<16384xf32, #tpu.memory_space<vmem>>, vector<16xf32>,
      } {sc.loop_unroll_factor = 16 : i64, sc.parallel_access}
      %add3A_61 = arith.constant 1 : i32
      %add3A_62 = arith.addi %add3A_25, %add3A_61 : i32
      %mul3A_63 = arith.constant 16384 : i32
      %mul3A_64 = arith.muli %add3A_62, %mul3A_63 : i32
      %add3A_65 = arith.addi %mul3A_2, %mul3A_64 : i32
      %dma_start3A_66 = tpu.memref_slice %arg3[%add3A_65] : memref<67108864xf32, #tpu.memory_space<hbm>> -> memref<16384xf32, #tpu.memory_space<hbm>>
      %dma_start3A_67 = tpu.memref_slice %arg3[%add3A_65] : memref<67108864xf32, #tpu.memory_space<hbm>> -> memref<16384xf32, #tpu.memory_space<hbm>>
      tpu.enqueue_dma source(%arg7 : memref<16384xf32, #tpu.memory_space<vmem>>) target(%dma_start3A_67 : memref<16384xf32, #tpu.memory_space<hbm>>) target_semaphore(%arg11 : memref<!tpu.dma_semaphore, #tpu.memory_space<semaphore_mem>>)
      %add3A_68 = arith.constant 3 : i32
      %add3A_69 = arith.addi %add3A_25, %add3A_68 : i32
      %lt3A_70 = arith.constant 128 : i32
      %lt3A_71 = arith.cmpi slt, %add3A_69, %lt3A_70 : i32
      %convert_element_type3A_72 = arith.extui %lt3A_71 : i1 to i32
      %cond3A_73 = arith.constant 0 : i32
      %cond3A_74 = arith.cmpi ne, %convert_element_type3A_72, %cond3A_73 : i32
      scf.if %cond3A_74 {
        %add3A_75 = arith.constant 3 : i32
        %add3A_76 = arith.addi %add3A_25, %add3A_75 : i32
        %mul3A_77 = arith.constant 16384 : i32
        %mul3A_78 = arith.muli %add3A_76, %mul3A_77 : i32
        %add3A_79 = arith.addi %mul3A_2, %mul3A_78 : i32
        %dma_start3A_80 = tpu.memref_slice %arg2[%add3A_79] : memref<67108864xf32, #tpu.memory_space<hbm>> -> memref<16384xf32, #tpu.memory_space<hbm>>
        %dma_start3A_81 = tpu.memref_slice %arg2[%add3A_79] : memref<67108864xf32, #tpu.memory_space<hbm>> -> memref<16384xf32, #tpu.memory_space<hbm>>
        tpu.enqueue_dma source(%dma_start3A_81 : memref<16384xf32, #tpu.memory_space<hbm>>) target(%arg5 : memref<16384xf32, #tpu.memory_space<vmem>>) target_semaphore(%arg9 : memref<!tpu.dma_semaphore, #tpu.memory_space<semaphore_mem>>)
      } else {
      }
    }
    %scan3A_13 = arith.constant 64 : i32
    %add3A_14 = arith.constant 2064384 : i32
    %add3A_15 = arith.addi %mul3A_2, %add3A_14 : i32
    %dma_wait3A = tpu.memref_slice %arg3[%add3A_15] : memref<67108864xf32, #tpu.memory_space<hbm>> -> memref<16384xf32, #tpu.memory_space<hbm>>
    %dma_wait3A_16 = tpu.memref_slice %arg3[%add3A_15] : memref<67108864xf32, #tpu.memory_space<hbm>> -> memref<16384xf32, #tpu.memory_space<hbm>>
    tpu.wait_dma2 semaphore(%arg10 : memref<!tpu.dma_semaphore, #tpu.memory_space<semaphore_mem>>) src(%arg6 : memref<16384xf32, #tpu.memory_space<vmem>>) dst(%dma_wait3A_16 : memref<16384xf32, #tpu.memory_space<hbm>>)
    %add3A_17 = arith.constant 2080768 : i32
    %add3A_18 = arith.addi %mul3A_2, %add3A_17 : i32
    %dma_wait3A_19 = tpu.memref_slice %arg3[%add3A_18] : memref<67108864xf32, #tpu.memory_space<hbm>> -> memref<16384xf32, #tpu.memory_space<hbm>>
    %dma_wait3A_20 = tpu.memref_slice %arg3[%add3A_18] : memref<67108864xf32, #tpu.memory_space<hbm>> -> memref<16384xf32, #tpu.memory_space<hbm>>
    tpu.wait_dma2 semaphore(%arg11 : memref<!tpu.dma_semaphore, #tpu.memory_space<semaphore_mem>>) src(%arg7 : memref<16384xf32, #tpu.memory_space<vmem>>) dst(%dma_wait3A_20 : memref<16384xf32, #tpu.memory_space<hbm>>)
    return
  }
}

</mosaic_0001>

<sc_bundles>
// kernel: kernel.3.cloned.1.call-start
scs
__scs_entry_jumppad:
0x0: {  	(pc) =	sbr.rel $0x88, $3  }
0x1: {  	(tag) =	ssettag $0x0;
	lr =	simm.s32 $0x1  }
0x2: {  	[smem:$0x3FA0] =	sst lr;
	_ =	strace $0xD0000000  }
0x3: {  	_ = 	snop  }
0x4: {  	_ = 	snop  }
0x5: {  	_ = 	snop  }
0x6: {  	_ = 	snop  }
0x7: {  	_ = 	snop  }
__scs_overlays_trampoline_lowered:
0x8: {  	[smem:$0x3FAF] =	sst s0  }
0x9: {  	[smem:$0x3FB0] =	sst s1  }
0xa: {  	[smem:$0x3FB1] =	sst s2  }
0xb: {  	[smem:$0x3FB2] =	sst s3  }
0xc: {  	[smem:$0x3FB3] =	sst s4  }
0xd: {  	[smem:$0x3FB4] =	sst s5  }
0xe: {  	[smem:$0x3FB5] =	sst s6  }
0xf: {  	[smem:$0x3FB6] =	sst s7  }
0x10: {  	[smem:$0x3FB7] =	sst s8  }
0x11: {  	[smem:$0x3FB8] =	sst s9;
	s0 =	simm.s32 @!p0 $0x0  }
0x12: {  	s1 =	sld [smem:$0x3F9E];
	s0 =	simm.s32 @p0 $0x1  }
0x13: {  	[smem:$0x3FB9] =	sst s0;
	s0 =	simm.s32 @!p1 $0x0  }
0x14: {  	s2 =	sld [smem:$0x3F9D];
	s0 =	simm.s32 @p1 $0x1  }
0x15: {  	[smem:$0x3FBA] =	sst s0;
	s0 =	simm.s32 @!p2 $0x0  }
0x16: {  	s3 =	sld [smem:$0x3FDB];
	s0 =	simm.s32 @p2 $0x1  }
0x17: {  	s4 =	simm.s32 $0x1BF5;
	[smem:$0x3FBC] =	sst s0  }
0x18: {  	s0 =	sld [smem:$0x3F9F];
	_ =	swait.ge [sflag:s4], $0x0  }
0x19: {  	s7 =	sld [smem:$0x3FA0]  }
0x1a: {  	s8 =	sadd.s32 $0xFFFFE003, lr  }
0x1b: {  	s9 =	sadd.s32 $0xFFFFFEF7, lr;
	s5 =	simm.s32 $0xFFFFFFFF;
	p2 =	slt.u32 s8, $0xFFFFF086  }
0x1c: {  	p1 =	slt.u32 s9, $0xF7A;
	s5 =	simm.s32 @!p2 $0x0  }
0x1d: {  	s5 =	simm.s32 @p1 $0x1;
	p0 =	seq.s32 s7, s2  }
0x1e: {  	s7 =	smul.u32 @!p0 $0xF7A, s2;
	p2 =	seq.s32 @!p0 s5, $0x0  }
0x1f: {  	s9 =	smul.u32 $0xF7A, s1;
	s8 =	simm.s32 @!p0 $0x1BF5;
	p2 =	por !p2, p0  }
0x20: {  	[sflag:s8] =	ssyncset.s32 @!p0 $0xFFFFF086;
	s6 =	sadd.s32 @!p0 s3, s7;
	s7 =	simm.s32 @!p0 $0x108  }
0x21: {  	s3 =	sadd.s32 s3, s9;
	s6 =	sadd.s32 @!p0 $0x88, s6;
	s7 =	simm.s32 @p2 $0x1082  }
0x22: {  	[simem:s7], [sflag:s8] =	dma.local @!p0 [hbm:s6], $0xF7A  }
0x23: {  	s9 =	sor.u32 $0xD0000000, s2;
	s6 =	simm.s32 $0x108;
	_ =	swait.ge @!p0 [sflag:s8], $0x0  }
0x24: {  	s3 =	sadd.s32 $0x88, s3;
	s6 =	simm.s32 @!p1 $0x1082;
	[sflag:s4] =	ssyncset.s32 $0xFFFFF086  }
0x25: {  	[simem:s6], [sflag:s4] =	dma.local [hbm:s3], $0xF7A  }
0x26: {  	[smem:$0x3FA0] =	sst s1;
	(tag) =	ssettag s2;
	_ =	strace s9  }
0x27: {  	s1 =	sld [smem:$0x3FB0]  }
0x28: {  	s2 =	sld [smem:$0x3FB1]  }
0x29: {  	s4 =	sld [smem:$0x3FB3]  }
0x2a: {  	p0 =	seq.s32 s5, $0x0;
	s5 =	sld [smem:$0x3FB4]  }
0x2b: {  	s6 =	sld [smem:$0x3FB5]  }
0x2c: {  	s7 =	sld [smem:$0x3FB6]  }
0x2d: {  	s3 =	simm.s32 $0x108;
	s8 =	sld [smem:$0x3FB7]  }
0x2e: {  	s3 =	simm.s32 @!p0 $0x1082;
	s9 =	sld [smem:$0x3FB8]  }
0x2f: {  	lr =	sadd.s32 s0, s3;
	s0 =	sld [smem:$0x3FAF]  }
0x30: {  	s3 =	sld [smem:$0x3FB2]  }
0x31: {  	[smem:$0x3FBB] =	sst s10  }
0x32: {  	s10 =	sld [smem:$0x3FB9];
	_ =	sdelay $0x3  }
0x33: {  	p0 =	seq.s32 s10, $0x1;
	s10 =	sld [smem:$0x3FBB];
	_ =	sdelay $0x3  }
0x34: {  	[smem:$0x3FBB] =	sst s10  }
0x35: {  	s10 =	sld [smem:$0x3FBA];
	_ =	sdelay $0x3  }
0x36: {  	p1 =	seq.s32 s10, $0x1;
	s10 =	sld [smem:$0x3FBB];
	_ =	sdelay $0x3  }
0x37: {  	[smem:$0x3FBB] =	sst s10  }
0x38: {  	s10 =	sld [smem:$0x3FBC]  }
0x39: {  	_ = 	snop;
	(pc) =	sbr.ind lr, $3  }
0x3a: {  	_ = 	snop  }
0x3b: {  	_ = 	snop  }
0x3c: {  	p2 =	seq.s32 s10, $0x1;
	s10 =	sld [smem:$0x3FBB]  }
0x3d: {  	_ =	shalt  }
0x3e: {  	_ =	shalt  }
0x3f: {  	_ =	shalt  }
0x40: {  	_ =	shalt  }
0x41: {  	_ =	shalt  }
0x42: {  	_ =	shalt  }
0x43: {  	_ =	shalt  }
0x44: {  	_ =	shalt  }
0x45: {  	_ =	shalt  }
0x46: {  	_ =	shalt  }
0x47: {  	_ =	shalt  }
0x48: {  	_ =	shalt  }
0x49: {  	_ =	shalt  }
0x4a: {  	_ =	shalt  }
0x4b: {  	_ =	shalt  }
0x4c: {  	_ =	shalt  }
0x4d: {  	_ =	shalt  }
0x4e: {  	_ =	shalt  }
0x4f: {  	_ =	shalt  }
0x50: {  	_ =	shalt  }
0x51: {  	_ =	shalt  }
0x52: {  	_ =	shalt  }
0x53: {  	_ =	shalt  }
0x54: {  	_ =	shalt  }
0x55: {  	_ =	shalt  }
0x56: {  	_ =	shalt  }
0x57: {  	_ =	shalt  }
0x58: {  	_ =	shalt  }
0x59: {  	_ =	shalt  }
0x5a: {  	_ =	shalt  }
0x5b: {  	_ =	shalt  }
0x5c: {  	_ =	shalt  }
0x5d: {  	_ =	shalt  }
0x5e: {  	_ =	shalt  }
0x5f: {  	_ =	shalt  }
0x60: {  	_ =	shalt  }
0x61: {  	_ =	shalt  }
0x62: {  	_ =	shalt  }
0x63: {  	_ =	shalt  }
0x64: {  	_ =	shalt  }
0x65: {  	_ =	shalt  }
0x66: {  	_ =	shalt  }
0x67: {  	_ =	shalt  }
0x68: {  	_ =	shalt  }
0x69: {  	_ =	shalt  }
0x6a: {  	_ =	shalt  }
0x6b: {  	_ =	shalt  }
0x6c: {  	_ =	shalt  }
0x6d: {  	_ =	shalt  }
0x6e: {  	_ =	shalt  }
0x6f: {  	_ =	shalt  }
0x70: {  	_ =	shalt  }
0x71: {  	_ =	shalt  }
0x72: {  	_ =	shalt  }
0x73: {  	_ =	shalt  }
0x74: {  	_ =	shalt  }
0x75: {  	_ =	shalt  }
0x76: {  	_ =	shalt  }
0x77: {  	_ =	shalt  }
0x78: {  	_ =	shalt  }
0x79: {  	_ =	shalt  }
0x7a: {  	_ =	shalt  }
0x7b: {  	_ =	shalt  }
0x7c: {  	_ =	shalt  }
0x7d: {  	_ =	shalt  }
0x7e: {  	_ =	shalt  }
0x7f: {  	_ =	shalt  }
0x80: {  	_ =	shalt  }
0x81: {  	_ =	shalt  }
0x82: {  	_ =	shalt  }
0x83: {  	_ =	shalt  }
0x84: {  	_ =	shalt  }
0x85: {  	_ =	shalt  }
0x86: {  	_ =	shalt  }
0x87: {  	_ =	shalt  }
.Lfunc_end0:
.L_simem_size_0:
called_computation_lowered:
.L_overlay_start_0:
0x88: {  	s2 =	sld [smem:$0x3FD9]  }
0x89: {  	s3 =	sld [smem:$0x3FFE];
	_ =	sdelay $0x1  }
0x8a: {  	s1 =	srdreg.scid  }
0x8b: {  	s0 =	sand.u32 $0x1, s1  }
0x8c: {  	s18 =	sshll.u32 s0, $0xA;
	s2 =	sadd.s32 s3, s2  }
0x8d: {  	s2 =	sadd.s32 s2, s18  }
0x8e: {  	[smem:$0x3FC7] =	sst s2  }
0x8f: {  	_ = 	snop  }
0x90: {  	s2 =	sld [smem:$0x3FC9]  }
0x91: {  	s19 =	sld [smem:$0x3FD0];
	(tm) =	ssettm $0x1  }
0x92: {  	s4 =	sld [smem:$0x3FFB];
	_ =	sdelay $0x3  }
0x93: {  	_ =	strace s4  }
0x94: {  	s4 =	sld [smem:$0x3FFC];
	_ =	sdelay $0x3  }
0x95: {  	_ =	strace s4  }
0x96: {  	s4 =	sld [smem:$0x3FFD];
	_ =	sdelay $0x3  }
0x97: {  	_ =	strace s4  }
0x98: {  	_ =	strace $0x8FFFFFFF  }
0x99: {  	s20 =	sld [smem:$0x3FDB];
	_ =	sdelay $0x1  }
0x9a: {  	s5 =	simm.s32 $_scs_section_size  }
0x9b: {  	s6 =	simm.s32 $_size__tile_overlayer_lowered;
	s7 =	simm.s32 $_tile_overlayer_lowered  }
0x9c: {  	s23 =	simm.s32 $0x1BFF;
	s22 =	sshll.u32 s7, $0x1;
	s4 =	sadd.s32 s5, s20  }
0x9d: {  	s8 =	simm.s32 $0x0;
	s21 =	sshll.u32 s6, $0x1;
	s6 =	sadd.s32 s22, s4  }
0x9e: {  	[timem:s8], [sflag:s23] =	dma.local [hbm:s6], s21  }
0x9f: {  	_ =	swait.ge [sflag:s23], s21  }
0xa0: {  	s5 =	ssub.s32 $0x0, s21;
	[sflag:s23] =	ssyncset.done $0x0  }
0xa1: {  	[sflag:s23] =	ssyncadd.s32 s5;
	_ =	sdelay $0x1  }
0xa2: {  	s24 =	simm.s32 $0x1B8B  }
0xa3: {  	_ =	swait.ge [sflag:s24], $0x1  }
0xa4: {  	[sflag:s24] =	ssyncset.done $0x0  }
0xa5: {  	s25 =	simm.s32 $0x1B8E;
	[sflag:s24] =	ssyncadd.s32 $0xFFFFFFFF  }
0xa6: {  	s26 =	simm.s32 $execute0_lowered;
	[smem:$0x3FD2] =	sst s25  }
0xa7: {  	s5 =	sshll.u32 s26, $0x1;
	_ =	strace $0x80000046;
	[dreg:$0x1] =	wrdreg $0xFFFFFFFF  }
0xa8: {  	s28 =	simm.s32 $_size_execute0_lowered;
	s4 =	sadd.s32 s4, s5;
	[dreg:$0x0] =	wrdreg $0x0  }
0xa9: {  	s5 =	sshll.u32 s28, $0x1;
	[dreg:$0x2] =	wrdreg s4  }
0xaa: {  	[dreg:$0x3] =	wrdreg s5  }
0xab: {  	[dreg:$0x4] =	wrdreg $0xC0  }
0xac: {  	_ =	task [dreg:s8], $0x5FFFF  }
0xad: {  	[dreg:$0x1] =	wrdreg $0xFFFFFFFF  }
0xae: {  	[dreg:$0x0] =	wrdreg $0x60  }
0xaf: {  	[dreg:$0x2] =	wrdreg s2  }
0xb0: {  	[dreg:$0x3] =	wrdreg s19  }
0xb1: {  	[dreg:$0x4] =	wrdreg $0x9  }
0xb2: {  	_ =	task.clear_ibuf [dreg:s8], $0x5FFFF;
	_ =	strace $0x90000046  }
0xb3: {  	s29 =	simm.s32 $0x9;
	_ =	strace $0x80000048  }
0xb4: {  	_ =	swait.ge [sflag:s29], $0x1  }
0xb5: {  	[sflag:s29] =	ssyncadd.s32 $0xFFFFFFFF  }
0xb6: {  	_ =	strace $0x90000048  }
0xb7: {  	_ =	sfence  }
0xb8: {  	s30 =	sld [smem:$0x0];
	_ =	sdelay $0x2  }
0xb9: {  	s31 =	sshll.u32 s1, $0xD;
	s1 =	sshrl.u32 s1, $0x2  }
0xba: {  	s3 =	sand.u32 $0x4000, s31;
	s1 =	sadd.s32 s1, s30  }
0xbb: {  	s0 =	sor.u32 s3, s0;
	s1 =	sshll.u32 s1, $0x11  }
0xbc: {  	s0 =	sor.u32 s1, s0  }
0xbd: {  	s0 =	sadd.s32 $0x8F2B, s0  }
0xbe: {  	[sflag:s0] =	ssyncadd.remote.s32 $0x1  }
0xbf: {  	_ =	sfence.sel $0xFFFF  }
0xc0: {  	[dreg:$0x0] =	wrdreg $0xFFFFFFFF;
	(pc) =	sbr.abs _section_cstart, $3  }
0xc1: {  	[dreg:$0x1] =	wrdreg $0xFFFFFFFF  }
0xc2: {  	_ =	task.clear_ibuf [dreg:s8], $0x2FFFF;
	_ =	strace $0x9FFFFFFF  }
0xc3: {  	(tm) =	ssettm $0x7FFFFFFF  }
tec
execute0_lowered:
.L_overlay_start_1:
0x0: {  	(tag) =	ssettag $0x1  }
0x1: {  	s2 =	rddreg [dreg:$0x0]  }
0x2: {  	s0 =	srdreg.scid;
	s3 =	rddreg [dreg:$0x1]  }
0x3: {  	s1 =	stileid.u32;
	s4 =	simm.s32 $0x0;
	s11 =	simm.s32 $0x4000  }
0x4: {  	s12 =	simm.s32 $0x1;
	s13 =	simm.s32 $0x8000;
	s14 =	simm.s32 $0x2  }
0x5: {  	s15 =	simm.s32 $0x4;
	s16 =	simm.s32 $0xC000;
	s17 =	simm.s32 $0x3  }
0x6: {  	s18 =	simm.s32 $0x0;
	s5 =	sand.u32 $0x1, s0;
	s0 =	rddreg [dreg:$0x2]  }
.Ltmp0:
0x7: {  	s6 =	sshll.u32 s1, $0x16;
	s7 =	sshll.u32 s5, $0x15;
	(pc) =	sbr.rel .LBB2_1-.Ltmp0, $4  }
0x8: {  	[smem:$0x7FF] =	sst s4;
	s8 =	ssub.s32 $0x2, s5;
	s5 =	sor.u32 s7, s6  }
0x9: {  	_ =	strace $0x80000047;
	s31 =	sshrl.u32 s8, $0x1;
	s7 =	sshrl.u32 s5, $0x3  }
0xa: {  	s10 =	ssub.s32 s8, s31;
	s8 =	sor.u32 $0x8000, s5;
	s6 =	sadd.s32 s2, s7  }
0xb: {  	s9 =	sor.u32 $0xC000, s5;
	s10 =	smax.u32 s10, $0x1;
	s7 =	sadd.s32 $0x800, s6  }
.LBB2_12:
0xc: {  	s18 =	sadd.s32 $0x1, s18  }
0xd: {  	_ =	swait.ge [sflag:s17], $0x4000;
	p0 =	sne.s32 s18, s10  }
.Ltmp1:
0xe: {  	[sflag:s17] =	ssyncset.done $0x0;
	(pc) =	sbr.rel @!p0 .LBB2_13-.Ltmp1, $4  }
0xf: {  	[sflag:s17] =	ssyncadd.s32 $0xFFFFC000  }
0x10: {  	_ =	swait.ge [sflag:s15], $0x4000  }
0x11: {  	[sflag:s15] =	ssyncset.done $0x0  }
0x12: {  	[sflag:s15] =	ssyncadd.s32 $0xFFFFC000  }
.LBB2_1:
0x13: {  	[tilespmem:s4], [sflag:$0x1] =	stream.linear.gather [hbm4b:s6+s4], $0x4000, $0x38;
	[tilespmem:$0x10000] =	vst v63  }
0x14: {  	s19 =	simm.s32 $0x0  }
0x15: {  	[tilespmem:s11], [sflag:$0x2] =	stream.linear.gather [hbm4b:s7+s4], $0x4000, $0x38;
	[tilespmem:$0x10000] =	vst v63  }
.LBB2_2:
0x16: {  	_ =	swait.ge [sflag:s12], $0x4000  }
0x17: {  	p0 =	seq.s32 s19, $0x0;
	[sflag:s12] =	ssyncset.done $0x0  }
0x18: {  	s20 =	simm.s32 @!p0 $0x3;
	[sflag:s12] =	ssyncadd.s32 $0xFFFFC000  }
0x19: {  	_ =	swait.ge @!p0 [sflag:s20], $0x4000  }
0x1a: {  	[sflag:s20] =	ssyncset.done @!p0 $0x0  }
0x1b: {  	s31 =	simm.s32 $0x80;
	[sflag:s20] =	ssyncadd.s32 @!p0 $0xFFFFC000  }
0x1c: {  	v0 =	vld [tilespmem:s31+$0xFFFFFF90]  }
0x1d: {  	v1 =	vld [tilespmem:s31+$0x30]  }
0x1e: {  	v2 =	vld [tilespmem:s31+$0x20]  }
0x1f: {  	v3 =	vld [tilespmem:s31+$0x0]  }
0x20: {  	v4 =	vld [tilespmem:s31+$0x40]  }
0x21: {  	v5 =	vld [tilespmem:s31+$0x50]  }
0x22: {  	v6 =	vld [tilespmem:s31+$0xFFFFFFD0]  }
0x23: {  	v7 =	vld [tilespmem:s31+$0x60]  }
0x24: {  	v8 =	vld [tilespmem:s31+$0x70]  }
0x25: {  	v9 =	vld [tilespmem:s31+$0xFFFFFF80];
	v0 =	vmul.f32 $2.828427120e+01, v0  }
0x26: {  	v10 =	vld [tilespmem:s31+$0xFFFFFFE0];
	v2 =	vmul.f32 $2.828427120e+01, v2;
	v1 =	vmul.f32 $2.828427120e+01, v1  }
0x27: {  	v11 =	vld [tilespmem:s31+$0xFFFFFFA0];
	v3 =	vmul.f32 $2.828427120e+01, v3;
	v4 =	vmul.f32 $2.828427120e+01, v4  }
0x28: {  	v14 =	vld [tilespmem:s31+$0x10];
	v5 =	vmul.f32 $2.828427120e+01, v5;
	v6 =	vmul.f32 $2.828427120e+01, v6  }
0x29: {  	v7 =	vmul.f32 $2.828427120e+01, v7;
	v8 =	vmul.f32 $2.828427120e+01, v8;
	v0 =	vadd.f32 $7.500000000e+00, v0  }
0x2a: {  	v9 =	vmul.f32 $2.828427120e+01, v9;
	v2 =	vadd.f32 $7.500000000e+00, v2;
	v1 =	vadd.f32 $7.500000000e+00, v1  }
0x2b: {  	v10 =	vmul.f32 $2.828427120e+01, v10;
	v3 =	vadd.f32 $7.500000000e+00, v3;
	v6 =	vadd.f32 $7.500000000e+00, v6  }
0x2c: {  	v11 =	vmul.f32 $2.828427120e+01, v11;
	v8 =	vadd.f32 $7.500000000e+00, v8;
	v4 =	vadd.f32 $7.500000000e+00, v4  }
0x2d: {  	v14 =	vmul.f32 $2.828427120e+01, v14;
	v9 =	vadd.f32 $7.500000000e+00, v9;
	v5 =	vadd.f32 $7.500000000e+00, v5  }
0x2e: {  	v7 =	vadd.f32 $7.500000000e+00, v7;
	v11 =	vadd.f32 $7.500000000e+00, v11;
	v1 =	vmax.f32 v1, $0.0e+00  }
0x2f: {  	v61 =	vadd.f32 $7.500000000e+00, v14;
	v0 =	vmax.f32 v0, $0.0e+00;
	v1 =	vmin.f32 v1, $1.500000000e+01  }
0x30: {  	v2 =	vmax.f32 v2, $0.0e+00;
	v3 =	vmax.f32 v3, $0.0e+00;
	v1 =	vadd.f32 $1.258291200e+07, v1  }
0x31: {  	v8 =	vmax.f32 v8, $0.0e+00;
	v6 =	vmax.f32 v6, $0.0e+00;
	v4 =	vmax.f32 v4, $0.0e+00  }
0x32: {  	v5 =	vmax.f32 v5, $0.0e+00;
	v7 =	vmax.f32 v7, $0.0e+00;
	v1 =	vadd.f32 $-1.258291200e+07, v1  }
0x33: {  	v0 =	vmin.f32 v0, $1.500000000e+01;
	v3 =	vmin.f32 v3, $1.500000000e+01;
	v6 =	vmin.f32 v6, $1.500000000e+01  }
0x34: {  	v13 =	vld [tilespmem:s31+$0xFFFFFFB0];
	v4 =	vmin.f32 v4, $1.500000000e+01;
	v3 =	vadd.f32 $1.258291200e+07, v3;
	v1 =	vmul.f32 $3.535534070e-02, v1  }
0x35: {  	v5 =	vmin.f32 v5, $1.500000000e+01;
	v0 =	vadd.f32 $1.258291200e+07, v0;
	v6 =	vadd.f32 $1.258291200e+07, v6  }
0x36: {  	v12 =	vadd.f32 $-2.651650310e-01, v1;
	v1 =	vmin.f32 v8, $1.500000000e+01;
	v8 =	vadd.f32 $7.500000000e+00, v10;
	v10 =	vld [tilespmem:s31+$0xFFFFFFF0]  }
0x37: {  	v2 =	vmin.f32 v2, $1.500000000e+01;
	v4 =	vadd.f32 $1.258291200e+07, v4;
	v5 =	vadd.f32 $1.258291200e+07, v5  }
0x38: {  	v16 =	vadd.f32 $1.258291200e+07, v2;
	v2 =	vmin.f32 v7, $1.500000000e+01;
	v3 =	vadd.f32 $-1.258291200e+07, v3  }
0x39: {  	v13 =	vmul.f32 $2.828427120e+01, v13;
	v2 =	vadd.f32 $1.258291200e+07, v2;
	v0 =	vadd.f32 $-1.258291200e+07, v0  }
0x3a: {  	v4 =	vadd.f32 $-1.258291200e+07, v4;
	v5 =	vadd.f32 $-1.258291200e+07, v5;
	v3 =	vmul.f32 $3.535534070e-02, v3  }
0x3b: {  	v6 =	vadd.f32 $-1.258291200e+07, v6;
	v1 =	vadd.f32 $1.258291200e+07, v1;
	v10 =	vmul.f32 $2.828427120e+01, v10  }
0x3c: {  	v15 =	vld [tilespmem:s31+$0xFFFFFFC0];
	v62 =	vadd.f32 $-1.258291200e+07, v16;
	v5 =	vmul.f32 $3.535534070e-02, v5;
	v3 =	vadd.f32 $-2.651650310e-01, v3  }
0x3d: {  	v6 =	vmul.f32 $3.535534070e-02, v6;
	v1 =	vadd.f32 $-1.258291200e+07, v1;
	v10 =	vadd.f32 $7.500000000e+00, v10  }
0x3e: {  	s23 =	simm.s32 $0x8080;
	v4 =	vmul.f32 $3.535534070e-02, v4;
	v17 =	vadd.f32 $-2.651650310e-01, v5;
	v8 =	vmax.f32 v8, $0.0e+00  }
0x3f: {  	[tilespmem:s23+$0x0] =	vst v3;
	v3 =	vadd.f32 $-2.651650310e-01, v6;
	v1 =	vmul.f32 $3.535534070e-02, v1;
	v7 =	vmax.f32 v10, $0.0e+00  }
0x40: {  	v10 =	vadd.f32 $-2.651650310e-01, v4;
	v4 =	vmax.f32 v9, $0.0e+00;
	v7 =	vmin.f32 v7, $1.500000000e+01  }
0x41: {  	v9 =	vmul.f32 $2.828427120e+01, v15;
	v5 =	vmin.f32 v4, $1.500000000e+01;
	v60 =	vadd.f32 $1.258291200e+07, v7  }
0x42: {  	v4 =	vadd.f32 $7.500000000e+00, v13;
	v7 =	vmax.f32 v11, $0.0e+00;
	v11 =	vadd.f32 $1.258291200e+07, v5  }
0x43: {  	[tilespmem:s23+$0x30] =	vst v12;
	v5 =	vmin.f32 v8, $1.500000000e+01;
	v8 =	vadd.f32 $7.500000000e+00, v9;
	v63 =	vadd.f32 $-1.258291200e+07, v60  }
0x44: {  	s24 =	simm.s32 $0x0;
	s20 =	sshll.u32 s19, $0xF;
	[tilespmem:s23+$0x50] =	vst v17;
	v9 =	vmax.f32 v61, $0.0e+00;
	v7 =	vmin.f32 v7, $1.500000000e+01;
	v5 =	vadd.f32 $1.258291200e+07, v5  }
0x45: {  	s25 =	simm.s32 $0x180;
	s22 =	simm.s32 $0x8080;
	s21 =	sor.u32 s5, s20;
	[tilespmem:s23+$0x40] =	vst v10;
	v10 =	vadd.f32 $-1.258291200e+07, v11;
	v11 =	vmul.f32 $3.535534070e-02, v62;
	v6 =	vmul.f32 $3.535534070e-02, v63  }
.LBB2_3:
0x46: {  	v12 =	vld [tilespmem:s25+$0xFFFFFF90];
	s24 =	sadd.s32 $0x10, s24;
	v7 =	vadd.f32 $1.258291200e+07, v7;
	v8 =	vmax.f32 v8, $0.0e+00;
	v9 =	vmin.f32 v9, $1.500000000e+01;
	s23 =	sadd.s32 $0x100, s23  }
0x47: {  	v13 =	vld [tilespmem:s25+$0x50];
	v10 =	vmul.f32 $3.535534070e-02, v10;
	v8 =	vmin.f32 v8, $1.500000000e+01;
	v11 =	vadd.f32 $-2.651650310e-01, v11  }
0x48: {  	v4 =	vmax.f32 v4, $0.0e+00;
	p1 =	slt.u32 s24, $0x3F0;
	v9 =	vadd.f32 $1.258291200e+07, v9;
	v14 =	vld [tilespmem:s25+$0x30];
	v7 =	vadd.f32 $-1.258291200e+07, v7  }
0x49: {  	v5 =	vadd.f32 $-1.258291200e+07, v5;
	v4 =	vmin.f32 v4, $1.500000000e+01;
	v15 =	vld [tilespmem:s25+$0x40];
	v10 =	vadd.f32 $-2.651650310e-01, v10;
	[tilespmem:s22+$0x20] =	vst v11  }
0x4a: {  	v6 =	vadd.f32 $-2.651650310e-01, v6;
	v9 =	vadd.f32 $-1.258291200e+07, v9;
	v11 =	vld [tilespmem:s25+$0x20];
	v7 =	vmul.f32 $3.535534070e-02, v7  }
0x4b: {  	v2 =	vadd.f32 $-1.258291200e+07, v2;
	v4 =	vadd.f32 $1.258291200e+07, v4;
	v12 =	vmul.f32 $2.828427120e+01, v12;
	v16 =	vld [tilespmem:s25+$0x0]  }
0x4c: {  	v1 =	vadd.f32 $-2.651650310e-01, v1;
	v5 =	vmul.f32 $3.535534070e-02, v5;
	v17 =	vld [tilespmem:s25+$0xFFFFFFB0];
	v7 =	vadd.f32 $-2.651650310e-01, v7;
	[tilespmem:s22+$0xFFFFFFF0] =	vst v6  }
0x4d: {  	v8 =	vadd.f32 $1.258291200e+07, v8;
	v2 =	vmul.f32 $3.535534070e-02, v2;
	v6 =	vadd.f32 $7.500000000e+00, v12;
	v12 =	vld [tilespmem:s25+$0xFFFFFFE0];
	[tilespmem:s22+$0xFFFFFFD0] =	vst v3  }
0x4e: {  	v0 =	vmul.f32 $3.535534070e-02, v0;
	v5 =	vadd.f32 $-2.651650310e-01, v5;
	v9 =	vmul.f32 $3.535534070e-02, v9;
	v3 =	vld [tilespmem:s25+$0xFFFFFFD0];
	[tilespmem:s22+$0xFFFFFF80] =	vst v10  }
0x4f: {  	v8 =	vadd.f32 $-1.258291200e+07, v8;
	v10 =	vld [tilespmem:s25+$0xFFFFFF80];
	v6 =	vmax.f32 v6, $0.0e+00;
	v11 =	vmul.f32 $2.828427120e+01, v11;
	[tilespmem:s22+$0x70] =	vst v1  }
0x50: {  	v4 =	vadd.f32 $-1.258291200e+07, v4;
	v15 =	vmul.f32 $2.828427120e+01, v15;
	v1 =	vld [tilespmem:s25+$0xFFFFFFA0];
	v16 =	vmul.f32 $2.828427120e+01, v16;
	[tilespmem:s22+$0xFFFFFFA0] =	vst v7  }
0x51: {  	v8 =	vmul.f32 $3.535534070e-02, v8;
	v14 =	vmul.f32 $2.828427120e+01, v14;
	v7 =	vld [tilespmem:s25+$0xFFFFFFC0];
	v11 =	vadd.f32 $7.500000000e+00, v11  }
0x52: {  	v0 =	vadd.f32 $-2.651650310e-01, v0;
	v13 =	vmul.f32 $2.828427120e+01, v13;
	v16 =	vadd.f32 $7.500000000e+00, v16;
	v18 =	vld [tilespmem:s25+$0x60]  }
0x53: {  	v8 =	vadd.f32 $-2.651650310e-01, v8;
	v14 =	vadd.f32 $7.500000000e+00, v14;
	v11 =	vmax.f32 v11, $0.0e+00;
	v19 =	vld [tilespmem:s25+$0x70];
	[tilespmem:s22+$0xFFFFFFE0] =	vst v5  }
0x54: {  	v5 =	vmax.f32 v16, $0.0e+00;
	v11 =	vmin.f32 v11, $1.500000000e+01;
	[tilespmem:s22+$0xFFFFFF90] =	vst v0;
	v0 =	vadd.f32 $-2.651650310e-01, v2  }
0x55: {  	v2 =	vmin.f32 v6, $1.500000000e+01;
	v6 =	vmax.f32 v14, $0.0e+00;
	v5 =	vmin.f32 v5, $1.500000000e+01;
	[tilespmem:s22+$0xFFFFFFC0] =	vst v8  }
0x56: {  	v4 =	vmul.f32 $3.535534070e-02, v4;
	v3 =	vmul.f32 $2.828427120e+01, v3;
	v6 =	vmin.f32 v6, $1.500000000e+01;
	[tilespmem:s22+$0x60] =	vst v0  }
0x57: {  	v8 =	vadd.f32 $-2.651650310e-01, v9;
	v0 =	vadd.f32 $1.258291200e+07, v6;
	v6 =	vmul.f32 $2.828427120e+01, v18  }
0x58: {  	v4 =	vadd.f32 $-2.651650310e-01, v4;
	v5 =	vadd.f32 $1.258291200e+07, v5;
	v9 =	vmul.f32 $2.828427120e+01, v19  }
0x59: {  	v10 =	vmul.f32 $2.828427120e+01, v10;
	v3 =	vadd.f32 $7.500000000e+00, v3;
	v0 =	vadd.f32 $-1.258291200e+07, v0;
	[tilespmem:s22+$0x10] =	vst v8  }
0x5a: {  	v2 =	vadd.f32 $1.258291200e+07, v2;
	v8 =	vmul.f32 $2.828427120e+01, v12;
	v9 =	vadd.f32 $7.500000000e+00, v9;
	[tilespmem:s22+$0xFFFFFFB0] =	vst v4;
	s22 =	smov.u32 s23  }
0x5b: {  	v1 =	vmul.f32 $2.828427120e+01, v1;
	v0 =	vmul.f32 $3.535534070e-02, v0;
	v4 =	vadd.f32 $7.500000000e+00, v15  }
0x5c: {  	v3 =	vmax.f32 v3, $0.0e+00;
	v5 =	vadd.f32 $-1.258291200e+07, v5;
	v9 =	vmax.f32 v9, $0.0e+00  }
0x5d: {  	v10 =	vadd.f32 $7.500000000e+00, v10;
	v12 =	vadd.f32 $-2.651650310e-01, v0;
	v0 =	vmin.f32 v9, $1.500000000e+01  }
0x5e: {  	v3 =	vmin.f32 v3, $1.500000000e+01;
	v8 =	vadd.f32 $7.500000000e+00, v8;
	v9 =	vld [tilespmem:s25+$0xFFFFFFF0];
	v14 =	vadd.f32 $1.258291200e+07, v0  }
0x5f: {  	v0 =	vadd.f32 $-1.258291200e+07, v2;
	v2 =	vmul.f32 $3.535534070e-02, v5;
	v5 =	vadd.f32 $7.500000000e+00, v13;
	[tilespmem:s23+$0x30] =	vst v12  }
0x60: {  	v3 =	vadd.f32 $1.258291200e+07, v3;
	v4 =	vmax.f32 v4, $0.0e+00;
	v12 =	vld [tilespmem:s25+$0x10];
	v13 =	vadd.f32 $-1.258291200e+07, v14  }
0x61: {  	v6 =	vadd.f32 $7.500000000e+00, v6;
	v4 =	vmin.f32 v4, $1.500000000e+01;
	v5 =	vmax.f32 v5, $0.0e+00  }
0x62: {  	v4 =	vadd.f32 $1.258291200e+07, v4;
	v14 =	vadd.f32 $7.500000000e+00, v1;
	v1 =	vmin.f32 v5, $1.500000000e+01  }
0x63: {  	v5 =	vmul.f32 $2.828427120e+01, v9;
	v9 =	vadd.f32 $1.258291200e+07, v1;
	v1 =	vmul.f32 $3.535534070e-02, v13  }
0x64: {  	v8 =	vmax.f32 v8, $0.0e+00;
	v4 =	vadd.f32 $-1.258291200e+07, v4;
	v13 =	vmul.f32 $2.828427120e+01, v17  }
0x65: {  	v6 =	vmax.f32 v6, $0.0e+00;
	v12 =	vmul.f32 $2.828427120e+01, v12;
	v9 =	vadd.f32 $-1.258291200e+07, v9  }
0x66: {  	v2 =	vadd.f32 $-2.651650310e-01, v2;
	v4 =	vmul.f32 $3.535534070e-02, v4;
	v5 =	vadd.f32 $7.500000000e+00, v5  }
0x67: {  	v11 =	vadd.f32 $1.258291200e+07, v11;
	v6 =	vmin.f32 v6, $1.500000000e+01;
	v9 =	vmul.f32 $3.535534070e-02, v9  }
0x68: {  	v4 =	vadd.f32 $-2.651650310e-01, v4;
	v5 =	vmax.f32 v5, $0.0e+00;
	[tilespmem:s23+$0x0] =	vst v2;
	v2 =	vadd.f32 $1.258291200e+07, v6  }
0x69: {  	v6 =	vmax.f32 v10, $0.0e+00;
	v5 =	vmin.f32 v5, $1.500000000e+01;
	v9 =	vadd.f32 $-2.651650310e-01, v9  }
0x6a: {  	v10 =	vmul.f32 $2.828427120e+01, v7;
	v6 =	vmin.f32 v6, $1.500000000e+01;
	v5 =	vadd.f32 $1.258291200e+07, v5;
	[tilespmem:s23+$0x40] =	vst v4  }
0x6b: {  	v3 =	vadd.f32 $-1.258291200e+07, v3;
	v7 =	vmax.f32 v14, $0.0e+00;
	v4 =	vadd.f32 $7.500000000e+00, v13;
	[tilespmem:s23+$0x50] =	vst v9  }
.Ltmp2:
0x6c: {  	v6 =	vadd.f32 $1.258291200e+07, v6;
	v9 =	vmin.f32 v8, $1.500000000e+01;
	(pc) =	sbr.rel @p1 .LBB2_3-.Ltmp2, $4  }
0x6d: {  	v11 =	vadd.f32 $-1.258291200e+07, v11;
	v3 =	vmul.f32 $3.535534070e-02, v3;
	v12 =	vadd.f32 $7.500000000e+00, v12  }
0x6e: {  	v7 =	vmin.f32 v7, $1.500000000e+01;
	v8 =	vadd.f32 $7.500000000e+00, v10;
	v13 =	vadd.f32 $-1.258291200e+07, v5  }
0x6f: {  	v3 =	vadd.f32 $-2.651650310e-01, v3;
	v5 =	vadd.f32 $1.258291200e+07, v9;
	v9 =	vmax.f32 v12, $0.0e+00  }
0x70: {  	v11 =	vmul.f32 $3.535534070e-02, v11;
	s25 =	sadd.s32 $0x100, s25;
	v10 =	vadd.f32 $-1.258291200e+07, v6;
	v6 =	vmul.f32 $3.535534070e-02, v13  }
0x71: {  	v7 =	vadd.f32 $1.258291200e+07, v7  }
0x72: {  	v8 =	vmax.f32 v8, $0.0e+00;
	v9 =	vmin.f32 v9, $1.500000000e+01;
	v5 =	vadd.f32 $-1.258291200e+07, v5  }
0x73: {  	v4 =	vmax.f32 v4, $0.0e+00;
	v1 =	vadd.f32 $-2.651650310e-01, v1;
	v2 =	vadd.f32 $-1.258291200e+07, v2  }
0x74: {  	v0 =	vmul.f32 $3.535534070e-02, v0;
	v10 =	vmul.f32 $3.535534070e-02, v10;
	v11 =	vadd.f32 $-2.651650310e-01, v11  }
0x75: {  	[tilespmem:s22+$0xFFFFFFD0] =	vst v3;
	v8 =	vmin.f32 v8, $1.500000000e+01;
	v9 =	vadd.f32 $1.258291200e+07, v9;
	v6 =	vadd.f32 $-2.651650310e-01, v6  }
0x76: {  	v4 =	vmin.f32 v4, $1.500000000e+01;
	v7 =	vadd.f32 $-1.258291200e+07, v7;
	v8 =	vadd.f32 $1.258291200e+07, v8;
	[tilespmem:s22+$0x70] =	vst v1  }
0x77: {  	v4 =	vadd.f32 $1.258291200e+07, v4;
	v5 =	vmul.f32 $3.535534070e-02, v5;
	v0 =	vadd.f32 $-2.651650310e-01, v0;
	[tilespmem:s22+$0x20] =	vst v11  }
0x78: {  	v2 =	vmul.f32 $3.535534070e-02, v2;
	v10 =	vadd.f32 $-2.651650310e-01, v10;
	[tilespmem:s22+$0xFFFFFFF0] =	vst v6;
	v56 =	vadd.f32 $-1.258291200e+07, v9  }
0x79: {  	v7 =	vmul.f32 $3.535534070e-02, v7;
	v54 =	vadd.f32 $-1.258291200e+07, v8;
	v5 =	vadd.f32 $-2.651650310e-01, v5;
	[tilespmem:s22+$0xFFFFFF90] =	vst v0  }
0x7a: {  	v58 =	vadd.f32 $-1.258291200e+07, v4;
	v60 =	vadd.f32 $-2.651650310e-01, v2;
	[tilespmem:s22+$0xFFFFFF80] =	vst v10;
	v59 =	vmul.f32 $3.535534070e-02, v56  }
0x7b: {  	v55 =	vadd.f32 $-2.651650310e-01, v7;
	v57 =	vmul.f32 $3.535534070e-02, v54;
	[tilespmem:s22+$0xFFFFFFE0] =	vst v5  }
0x7c: {  	p1 =	sne.s32 s19, $0x3F;
	v61 =	vmul.f32 $3.535534070e-02, v58;
	[tilespmem:s22+$0x60] =	vst v60;
	v62 =	vadd.f32 $-2.651650310e-01, v59  }
.Ltmp3:
0x7d: {  	[tilespmem:s22+$0xFFFFFFA0] =	vst v55;
	v1 =	vadd.f32 $-2.651650310e-01, v57;
	(pc) =	sbr.rel @p1 .LBB2_6-.Ltmp3, $4  }
0x7e: {  	v63 =	vadd.f32 $-2.651650310e-01, v61;
	[tilespmem:s22+$0x10] =	vst v62  }
0x7f: {  	s21 =	sshrl.u32 s21, $0x3;
	[tilespmem:s22+$0xFFFFFFC0] =	vst v1  }
0x80: {  	s31 =	sadd.s32 s3, s21;
	[tilespmem:s22+$0xFFFFFFB0] =	vst v63  }
0x81: {  	[hbm4b:s31+s4] =	stream.linear.scatter [tilespmem:s13], [sflag:$0x3], $0x4000, $0x38;
	[tilespmem:$0x10000] =	vst v63  }
.Ltmp4:
0x82: {  	(pc) =	sbr.rel .LBB2_7-.Ltmp4, $4  }
0x83: {  	_ = 	snop  }
0x84: {  	_ =	swait.ge [sflag:s14], $0x4000  }
0x85: {  	[sflag:s14] =	ssyncset.done $0x0  }
0x86: {  	[sflag:s14] =	ssyncadd.s32 $0xFFFFC000  }
.LBB2_6:
0x87: {  	s22 =	sadd.s32 s20, s8  }
0x88: {  	s22 =	sshrl.u32 s22, $0x3  }
.Ltmp5:
0x89: {  	s22 =	sadd.s32 s2, s22;
	(pc) =	sbr.rel @p0 .LBB2_8-.Ltmp5, $4  }
0x8a: {  	[tilespmem:s4], [sflag:$0x1] =	stream.linear.gather [hbm4b:s22+s4], $0x4000, $0x38;
	[tilespmem:$0x10000] =	vst v63  }
0x8b: {  	_ =	swait.ge [sflag:s14], $0x4000  }
0x8c: {  	[sflag:s14] =	ssyncset.done $0x0  }
0x8d: {  	[sflag:s14] =	ssyncadd.s32 $0xFFFFC000  }
.LBB2_7:
0x8e: {  	_ =	swait.ge [sflag:s15], $0x4000  }
0x8f: {  	[sflag:s15] =	ssyncset.done $0x0  }
0x90: {  	[sflag:s15] =	ssyncadd.s32 $0xFFFFC000  }
.LBB2_8:
0x91: {  	s22 =	simm.s32 $0x4080  }
0x92: {  	v0 =	vld [tilespmem:s22+$0xFFFFFF90]  }
0x93: {  	v1 =	vld [tilespmem:s22+$0x30]  }
0x94: {  	v2 =	vld [tilespmem:s22+$0x20]  }
0x95: {  	v3 =	vld [tilespmem:s22+$0x0]  }
0x96: {  	v4 =	vld [tilespmem:s22+$0x40]  }
0x97: {  	v5 =	vld [tilespmem:s22+$0x50]  }
0x98: {  	v6 =	vld [tilespmem:s22+$0xFFFFFFD0]  }
0x99: {  	v7 =	vld [tilespmem:s22+$0x60]  }
0x9a: {  	v8 =	vld [tilespmem:s22+$0x70]  }
0x9b: {  	v9 =	vld [tilespmem:s22+$0xFFFFFF80];
	v0 =	vmul.f32 $2.828427120e+01, v0  }
0x9c: {  	v10 =	vld [tilespmem:s22+$0xFFFFFFE0];
	v2 =	vmul.f32 $2.828427120e+01, v2;
	v1 =	vmul.f32 $2.828427120e+01, v1  }
0x9d: {  	v11 =	vld [tilespmem:s22+$0xFFFFFFA0];
	v3 =	vmul.f32 $2.828427120e+01, v3;
	v4 =	vmul.f32 $2.828427120e+01, v4  }
0x9e: {  	v14 =	vld [tilespmem:s22+$0x10];
	v5 =	vmul.f32 $2.828427120e+01, v5;
	v6 =	vmul.f32 $2.828427120e+01, v6  }
0x9f: {  	v7 =	vmul.f32 $2.828427120e+01, v7;
	v8 =	vmul.f32 $2.828427120e+01, v8;
	v0 =	vadd.f32 $7.500000000e+00, v0  }
0xa0: {  	v9 =	vmul.f32 $2.828427120e+01, v9;
	v2 =	vadd.f32 $7.500000000e+00, v2;
	v1 =	vadd.f32 $7.500000000e+00, v1  }
0xa1: {  	v10 =	vmul.f32 $2.828427120e+01, v10;
	v3 =	vadd.f32 $7.500000000e+00, v3;
	v6 =	vadd.f32 $7.500000000e+00, v6  }
0xa2: {  	v11 =	vmul.f32 $2.828427120e+01, v11;
	v8 =	vadd.f32 $7.500000000e+00, v8;
	v4 =	vadd.f32 $7.500000000e+00, v4  }
0xa3: {  	v14 =	vmul.f32 $2.828427120e+01, v14;
	v9 =	vadd.f32 $7.500000000e+00, v9;
	v5 =	vadd.f32 $7.500000000e+00, v5  }
0xa4: {  	v7 =	vadd.f32 $7.500000000e+00, v7;
	v11 =	vadd.f32 $7.500000000e+00, v11;
	v1 =	vmax.f32 v1, $0.0e+00  }
0xa5: {  	v61 =	vadd.f32 $7.500000000e+00, v14;
	v0 =	vmax.f32 v0, $0.0e+00;
	v1 =	vmin.f32 v1, $1.500000000e+01  }
0xa6: {  	v2 =	vmax.f32 v2, $0.0e+00;
	v3 =	vmax.f32 v3, $0.0e+00;
	v1 =	vadd.f32 $1.258291200e+07, v1  }
0xa7: {  	v8 =	vmax.f32 v8, $0.0e+00;
	v6 =	vmax.f32 v6, $0.0e+00;
	v4 =	vmax.f32 v4, $0.0e+00  }
0xa8: {  	v5 =	vmax.f32 v5, $0.0e+00;
	v7 =	vmax.f32 v7, $0.0e+00;
	v1 =	vadd.f32 $-1.258291200e+07, v1  }
0xa9: {  	v0 =	vmin.f32 v0, $1.500000000e+01;
	v3 =	vmin.f32 v3, $1.500000000e+01;
	v6 =	vmin.f32 v6, $1.500000000e+01  }
0xaa: {  	v13 =	vld [tilespmem:s22+$0xFFFFFFB0];
	v4 =	vmin.f32 v4, $1.500000000e+01;
	v3 =	vadd.f32 $1.258291200e+07, v3;
	v1 =	vmul.f32 $3.535534070e-02, v1  }
0xab: {  	v5 =	vmin.f32 v5, $1.500000000e+01;
	v0 =	vadd.f32 $1.258291200e+07, v0;
	v6 =	vadd.f32 $1.258291200e+07, v6  }
0xac: {  	v12 =	vadd.f32 $-2.651650310e-01, v1;
	v1 =	vmin.f32 v8, $1.500000000e+01;
	v8 =	vadd.f32 $7.500000000e+00, v10;
	v10 =	vld [tilespmem:s22+$0xFFFFFFF0]  }
0xad: {  	v2 =	vmin.f32 v2, $1.500000000e+01;
	v4 =	vadd.f32 $1.258291200e+07, v4;
	v5 =	vadd.f32 $1.258291200e+07, v5  }
0xae: {  	v16 =	vadd.f32 $1.258291200e+07, v2;
	v2 =	vmin.f32 v7, $1.500000000e+01;
	v3 =	vadd.f32 $-1.258291200e+07, v3  }
0xaf: {  	v13 =	vmul.f32 $2.828427120e+01, v13;
	v2 =	vadd.f32 $1.258291200e+07, v2;
	v0 =	vadd.f32 $-1.258291200e+07, v0  }
0xb0: {  	v4 =	vadd.f32 $-1.258291200e+07, v4;
	v5 =	vadd.f32 $-1.258291200e+07, v5;
	v3 =	vmul.f32 $3.535534070e-02, v3  }
0xb1: {  	v6 =	vadd.f32 $-1.258291200e+07, v6;
	v1 =	vadd.f32 $1.258291200e+07, v1;
	v10 =	vmul.f32 $2.828427120e+01, v10  }
0xb2: {  	v15 =	vld [tilespmem:s22+$0xFFFFFFC0];
	v62 =	vadd.f32 $-1.258291200e+07, v16;
	v5 =	vmul.f32 $3.535534070e-02, v5;
	v3 =	vadd.f32 $-2.651650310e-01, v3  }
0xb3: {  	v6 =	vmul.f32 $3.535534070e-02, v6;
	v1 =	vadd.f32 $-1.258291200e+07, v1;
	v10 =	vadd.f32 $7.500000000e+00, v10  }
0xb4: {  	s23 =	simm.s32 $0xC080;
	v4 =	vmul.f32 $3.535534070e-02, v4;
	v17 =	vadd.f32 $-2.651650310e-01, v5;
	v8 =	vmax.f32 v8, $0.0e+00  }
0xb5: {  	[tilespmem:s23+$0x0] =	vst v3;
	v3 =	vadd.f32 $-2.651650310e-01, v6;
	v1 =	vmul.f32 $3.535534070e-02, v1;
	v7 =	vmax.f32 v10, $0.0e+00  }
0xb6: {  	v10 =	vadd.f32 $-2.651650310e-01, v4;
	v4 =	vmax.f32 v9, $0.0e+00;
	v7 =	vmin.f32 v7, $1.500000000e+01  }
0xb7: {  	v9 =	vmul.f32 $2.828427120e+01, v15;
	v5 =	vmin.f32 v4, $1.500000000e+01;
	v60 =	vadd.f32 $1.258291200e+07, v7  }
0xb8: {  	v4 =	vadd.f32 $7.500000000e+00, v13;
	v7 =	vmax.f32 v11, $0.0e+00;
	v11 =	vadd.f32 $1.258291200e+07, v5  }
0xb9: {  	[tilespmem:s23+$0x30] =	vst v12;
	v5 =	vmin.f32 v8, $1.500000000e+01;
	v8 =	vadd.f32 $7.500000000e+00, v9;
	v63 =	vadd.f32 $-1.258291200e+07, v60  }
0xba: {  	[tilespmem:s23+$0x50] =	vst v17;
	v9 =	vmax.f32 v61, $0.0e+00;
	v7 =	vmin.f32 v7, $1.500000000e+01;
	v5 =	vadd.f32 $1.258291200e+07, v5  }
0xbb: {  	s24 =	simm.s32 $0x0;
	s25 =	simm.s32 $0x4180;
	s22 =	simm.s32 $0xC080;
	[tilespmem:s23+$0x40] =	vst v10;
	v10 =	vadd.f32 $-1.258291200e+07, v11;
	v11 =	vmul.f32 $3.535534070e-02, v62;
	v6 =	vmul.f32 $3.535534070e-02, v63  }
.LBB2_9:
0xbc: {  	v12 =	vld [tilespmem:s25+$0xFFFFFF90];
	s24 =	sadd.s32 $0x10, s24;
	v7 =	vadd.f32 $1.258291200e+07, v7;
	v8 =	vmax.f32 v8, $0.0e+00;
	v9 =	vmin.f32 v9, $1.500000000e+01;
	s23 =	sadd.s32 $0x100, s23  }
0xbd: {  	v13 =	vld [tilespmem:s25+$0x50];
	v10 =	vmul.f32 $3.535534070e-02, v10;
	v8 =	vmin.f32 v8, $1.500000000e+01;
	v11 =	vadd.f32 $-2.651650310e-01, v11  }
0xbe: {  	v4 =	vmax.f32 v4, $0.0e+00;
	p0 =	slt.u32 s24, $0x3F0;
	v9 =	vadd.f32 $1.258291200e+07, v9;
	v14 =	vld [tilespmem:s25+$0x30];
	v7 =	vadd.f32 $-1.258291200e+07, v7  }
0xbf: {  	v5 =	vadd.f32 $-1.258291200e+07, v5;
	v4 =	vmin.f32 v4, $1.500000000e+01;
	v15 =	vld [tilespmem:s25+$0x40];
	v10 =	vadd.f32 $-2.651650310e-01, v10;
	[tilespmem:s22+$0x20] =	vst v11  }
0xc0: {  	v6 =	vadd.f32 $-2.651650310e-01, v6;
	v9 =	vadd.f32 $-1.258291200e+07, v9;
	v11 =	vld [tilespmem:s25+$0x20];
	v7 =	vmul.f32 $3.535534070e-02, v7  }
0xc1: {  	v2 =	vadd.f32 $-1.258291200e+07, v2;
	v4 =	vadd.f32 $1.258291200e+07, v4;
	v12 =	vmul.f32 $2.828427120e+01, v12;
	v16 =	vld [tilespmem:s25+$0x0]  }
0xc2: {  	v1 =	vadd.f32 $-2.651650310e-01, v1;
	v5 =	vmul.f32 $3.535534070e-02, v5;
	v17 =	vld [tilespmem:s25+$0xFFFFFFB0];
	v7 =	vadd.f32 $-2.651650310e-01, v7;
	[tilespmem:s22+$0xFFFFFFF0] =	vst v6  }
0xc3: {  	v8 =	vadd.f32 $1.258291200e+07, v8;
	v2 =	vmul.f32 $3.535534070e-02, v2;
	v6 =	vadd.f32 $7.500000000e+00, v12;
	v12 =	vld [tilespmem:s25+$0xFFFFFFE0];
	[tilespmem:s22+$0xFFFFFFD0] =	vst v3  }
0xc4: {  	v0 =	vmul.f32 $3.535534070e-02, v0;
	v5 =	vadd.f32 $-2.651650310e-01, v5;
	v9 =	vmul.f32 $3.535534070e-02, v9;
	v3 =	vld [tilespmem:s25+$0xFFFFFFD0];
	[tilespmem:s22+$0xFFFFFF80] =	vst v10  }
0xc5: {  	v8 =	vadd.f32 $-1.258291200e+07, v8;
	v10 =	vld [tilespmem:s25+$0xFFFFFF80];
	v6 =	vmax.f32 v6, $0.0e+00;
	v11 =	vmul.f32 $2.828427120e+01, v11;
	[tilespmem:s22+$0x70] =	vst v1  }
0xc6: {  	v4 =	vadd.f32 $-1.258291200e+07, v4;
	v15 =	vmul.f32 $2.828427120e+01, v15;
	v1 =	vld [tilespmem:s25+$0xFFFFFFA0];
	v16 =	vmul.f32 $2.828427120e+01, v16;
	[tilespmem:s22+$0xFFFFFFA0] =	vst v7  }
0xc7: {  	v8 =	vmul.f32 $3.535534070e-02, v8;
	v14 =	vmul.f32 $2.828427120e+01, v14;
	v7 =	vld [tilespmem:s25+$0xFFFFFFC0];
	v11 =	vadd.f32 $7.500000000e+00, v11  }
0xc8: {  	v0 =	vadd.f32 $-2.651650310e-01, v0;
	v13 =	vmul.f32 $2.828427120e+01, v13;
	v16 =	vadd.f32 $7.500000000e+00, v16;
	v18 =	vld [tilespmem:s25+$0x60]  }
0xc9: {  	v8 =	vadd.f32 $-2.651650310e-01, v8;
	v14 =	vadd.f32 $7.500000000e+00, v14;
	v11 =	vmax.f32 v11, $0.0e+00;
	v19 =	vld [tilespmem:s25+$0x70];
	[tilespmem:s22+$0xFFFFFFE0] =	vst v5  }
0xca: {  	v5 =	vmax.f32 v16, $0.0e+00;
	v11 =	vmin.f32 v11, $1.500000000e+01;
	[tilespmem:s22+$0xFFFFFF90] =	vst v0;
	v0 =	vadd.f32 $-2.651650310e-01, v2  }
0xcb: {  	v2 =	vmin.f32 v6, $1.500000000e+01;
	v6 =	vmax.f32 v14, $0.0e+00;
	v5 =	vmin.f32 v5, $1.500000000e+01;
	[tilespmem:s22+$0xFFFFFFC0] =	vst v8  }
0xcc: {  	v4 =	vmul.f32 $3.535534070e-02, v4;
	v3 =	vmul.f32 $2.828427120e+01, v3;
	v6 =	vmin.f32 v6, $1.500000000e+01;
	[tilespmem:s22+$0x60] =	vst v0  }
0xcd: {  	v8 =	vadd.f32 $-2.651650310e-01, v9;
	v0 =	vadd.f32 $1.258291200e+07, v6;
	v6 =	vmul.f32 $2.828427120e+01, v18  }
0xce: {  	v4 =	vadd.f32 $-2.651650310e-01, v4;
	v5 =	vadd.f32 $1.258291200e+07, v5;
	v9 =	vmul.f32 $2.828427120e+01, v19  }
0xcf: {  	v10 =	vmul.f32 $2.828427120e+01, v10;
	v3 =	vadd.f32 $7.500000000e+00, v3;
	v0 =	vadd.f32 $-1.258291200e+07, v0;
	[tilespmem:s22+$0x10] =	vst v8  }
0xd0: {  	v2 =	vadd.f32 $1.258291200e+07, v2;
	v8 =	vmul.f32 $2.828427120e+01, v12;
	v9 =	vadd.f32 $7.500000000e+00, v9;
	[tilespmem:s22+$0xFFFFFFB0] =	vst v4;
	s22 =	smov.u32 s23  }
0xd1: {  	v1 =	vmul.f32 $2.828427120e+01, v1;
	v0 =	vmul.f32 $3.535534070e-02, v0;
	v4 =	vadd.f32 $7.500000000e+00, v15  }
0xd2: {  	v3 =	vmax.f32 v3, $0.0e+00;
	v5 =	vadd.f32 $-1.258291200e+07, v5;
	v9 =	vmax.f32 v9, $0.0e+00  }
0xd3: {  	v10 =	vadd.f32 $7.500000000e+00, v10;
	v12 =	vadd.f32 $-2.651650310e-01, v0;
	v0 =	vmin.f32 v9, $1.500000000e+01  }
0xd4: {  	v3 =	vmin.f32 v3, $1.500000000e+01;
	v8 =	vadd.f32 $7.500000000e+00, v8;
	v9 =	vld [tilespmem:s25+$0xFFFFFFF0];
	v14 =	vadd.f32 $1.258291200e+07, v0  }
0xd5: {  	v0 =	vadd.f32 $-1.258291200e+07, v2;
	v2 =	vmul.f32 $3.535534070e-02, v5;
	v5 =	vadd.f32 $7.500000000e+00, v13;
	[tilespmem:s23+$0x30] =	vst v12  }
0xd6: {  	v3 =	vadd.f32 $1.258291200e+07, v3;
	v4 =	vmax.f32 v4, $0.0e+00;
	v12 =	vld [tilespmem:s25+$0x10];
	v13 =	vadd.f32 $-1.258291200e+07, v14  }
0xd7: {  	v6 =	vadd.f32 $7.500000000e+00, v6;
	v4 =	vmin.f32 v4, $1.500000000e+01;
	v5 =	vmax.f32 v5, $0.0e+00  }
0xd8: {  	v4 =	vadd.f32 $1.258291200e+07, v4;
	v14 =	vadd.f32 $7.500000000e+00, v1;
	v1 =	vmin.f32 v5, $1.500000000e+01  }
0xd9: {  	v5 =	vmul.f32 $2.828427120e+01, v9;
	v9 =	vadd.f32 $1.258291200e+07, v1;
	v1 =	vmul.f32 $3.535534070e-02, v13  }
0xda: {  	v8 =	vmax.f32 v8, $0.0e+00;
	v4 =	vadd.f32 $-1.258291200e+07, v4;
	v13 =	vmul.f32 $2.828427120e+01, v17  }
0xdb: {  	v6 =	vmax.f32 v6, $0.0e+00;
	v12 =	vmul.f32 $2.828427120e+01, v12;
	v9 =	vadd.f32 $-1.258291200e+07, v9  }
0xdc: {  	v2 =	vadd.f32 $-2.651650310e-01, v2;
	v4 =	vmul.f32 $3.535534070e-02, v4;
	v5 =	vadd.f32 $7.500000000e+00, v5  }
0xdd: {  	v11 =	vadd.f32 $1.258291200e+07, v11;
	v6 =	vmin.f32 v6, $1.500000000e+01;
	v9 =	vmul.f32 $3.535534070e-02, v9  }
0xde: {  	v4 =	vadd.f32 $-2.651650310e-01, v4;
	v5 =	vmax.f32 v5, $0.0e+00;
	[tilespmem:s23+$0x0] =	vst v2;
	v2 =	vadd.f32 $1.258291200e+07, v6  }
0xdf: {  	v6 =	vmax.f32 v10, $0.0e+00;
	v5 =	vmin.f32 v5, $1.500000000e+01;
	v9 =	vadd.f32 $-2.651650310e-01, v9  }
0xe0: {  	v10 =	vmul.f32 $2.828427120e+01, v7;
	v6 =	vmin.f32 v6, $1.500000000e+01;
	v5 =	vadd.f32 $1.258291200e+07, v5;
	[tilespmem:s23+$0x40] =	vst v4  }
0xe1: {  	v3 =	vadd.f32 $-1.258291200e+07, v3;
	v7 =	vmax.f32 v14, $0.0e+00;
	v4 =	vadd.f32 $7.500000000e+00, v13;
	[tilespmem:s23+$0x50] =	vst v9  }
.Ltmp6:
0xe2: {  	v6 =	vadd.f32 $1.258291200e+07, v6;
	v9 =	vmin.f32 v8, $1.500000000e+01;
	(pc) =	sbr.rel @p0 .LBB2_9-.Ltmp6, $4  }
0xe3: {  	v11 =	vadd.f32 $-1.258291200e+07, v11;
	v3 =	vmul.f32 $3.535534070e-02, v3;
	v12 =	vadd.f32 $7.500000000e+00, v12  }
0xe4: {  	v7 =	vmin.f32 v7, $1.500000000e+01;
	v8 =	vadd.f32 $7.500000000e+00, v10;
	v13 =	vadd.f32 $-1.258291200e+07, v5  }
0xe5: {  	v3 =	vadd.f32 $-2.651650310e-01, v3;
	v5 =	vadd.f32 $1.258291200e+07, v9;
	v9 =	vmax.f32 v12, $0.0e+00  }
0xe6: {  	v11 =	vmul.f32 $3.535534070e-02, v11;
	s25 =	sadd.s32 $0x100, s25;
	v10 =	vadd.f32 $-1.258291200e+07, v6;
	v6 =	vmul.f32 $3.535534070e-02, v13  }
0xe7: {  	v7 =	vadd.f32 $1.258291200e+07, v7  }
0xe8: {  	v8 =	vmax.f32 v8, $0.0e+00;
	v9 =	vmin.f32 v9, $1.500000000e+01;
	v5 =	vadd.f32 $-1.258291200e+07, v5  }
0xe9: {  	v4 =	vmax.f32 v4, $0.0e+00;
	v1 =	vadd.f32 $-2.651650310e-01, v1;
	v2 =	vadd.f32 $-1.258291200e+07, v2  }
0xea: {  	v0 =	vmul.f32 $3.535534070e-02, v0;
	v10 =	vmul.f32 $3.535534070e-02, v10;
	v11 =	vadd.f32 $-2.651650310e-01, v11  }
0xeb: {  	[tilespmem:s22+$0xFFFFFFD0] =	vst v3;
	v8 =	vmin.f32 v8, $1.500000000e+01;
	v9 =	vadd.f32 $1.258291200e+07, v9;
	v6 =	vadd.f32 $-2.651650310e-01, v6  }
0xec: {  	v4 =	vmin.f32 v4, $1.500000000e+01;
	v7 =	vadd.f32 $-1.258291200e+07, v7;
	v8 =	vadd.f32 $1.258291200e+07, v8;
	[tilespmem:s22+$0x70] =	vst v1  }
0xed: {  	v4 =	vadd.f32 $1.258291200e+07, v4;
	v5 =	vmul.f32 $3.535534070e-02, v5;
	v0 =	vadd.f32 $-2.651650310e-01, v0;
	[tilespmem:s22+$0x20] =	vst v11  }
0xee: {  	v2 =	vmul.f32 $3.535534070e-02, v2;
	v10 =	vadd.f32 $-2.651650310e-01, v10;
	[tilespmem:s22+$0xFFFFFFF0] =	vst v6;
	v56 =	vadd.f32 $-1.258291200e+07, v9  }
0xef: {  	v7 =	vmul.f32 $3.535534070e-02, v7;
	v54 =	vadd.f32 $-1.258291200e+07, v8;
	v5 =	vadd.f32 $-2.651650310e-01, v5;
	[tilespmem:s22+$0xFFFFFF90] =	vst v0  }
0xf0: {  	v58 =	vadd.f32 $-1.258291200e+07, v4;
	v60 =	vadd.f32 $-2.651650310e-01, v2;
	[tilespmem:s22+$0xFFFFFF80] =	vst v10;
	v59 =	vmul.f32 $3.535534070e-02, v56  }
0xf1: {  	v55 =	vadd.f32 $-2.651650310e-01, v7;
	v57 =	vmul.f32 $3.535534070e-02, v54;
	[tilespmem:s22+$0xFFFFFFE0] =	vst v5  }
0xf2: {  	p0 =	seq.s32 s19, $0x3F;
	v61 =	vmul.f32 $3.535534070e-02, v58;
	[tilespmem:s22+$0x60] =	vst v60;
	v62 =	vadd.f32 $-2.651650310e-01, v59  }
.Ltmp7:
0xf3: {  	[tilespmem:s22+$0xFFFFFFA0] =	vst v55;
	v1 =	vadd.f32 $-2.651650310e-01, v57;
	(pc) =	sbr.rel @p0 .LBB2_12-.Ltmp7, $4  }
0xf4: {  	v63 =	vadd.f32 $-2.651650310e-01, v61;
	[tilespmem:s22+$0x10] =	vst v62  }
0xf5: {  	s21 =	sadd.s32 s21, s3;
	[tilespmem:s22+$0xFFFFFFC0] =	vst v1  }
0xf6: {  	s21 =	sadd.s32 $0x800, s21;
	[tilespmem:s22+$0xFFFFFFB0] =	vst v63  }
0xf7: {  	[hbm4b:s21+s4] =	stream.linear.scatter [tilespmem:s16], [sflag:$0x4], $0x4000, $0x38;
	[tilespmem:$0x10000] =	vst v63  }
.Ltmp8:
0xf8: {  	(pc) =	sbr.rel .LBB2_2-.Ltmp8, $4  }
0xf9: {  	s20 =	sadd.s32 s20, s9  }
0xfa: {  	s20 =	sshrl.u32 s20, $0x3  }
0xfb: {  	s19 =	sadd.s32 $0x1, s19;
	s20 =	sadd.s32 s2, s20  }
0xfc: {  	[tilespmem:s11], [sflag:$0x2] =	stream.linear.gather [hbm4b:s20+s4], $0x4000, $0x38;
	[tilespmem:$0x10000] =	vst v63  }
.LBB2_13:
0xfd: {  	_ =	sfence.sel $0x180000  }
0xfe: {  	[bflag:$0x0] =	sbarrier.arrive $0xFFFF  }
0xff: {  	p0 =	sne.s32 s1, $0x0;
	_ =	strace $0x90000047  }
0x100: {  	s0 =	sadd.s32 @!p0 $0x100000, s0;
	[bflag:$0x2] =	sbarrier.arrive $0xFFFF  }
0x101: {  	[sflag:s0] =	ssyncadd.tile.s32 @!p0 $0x1;
	_ =	shalt  }
.Lfunc_end2:
_tile_overlayer_lowered:
.L_overlay_start_2:
0x102: {  	(tag) =	ssettag $0x2  }
0x103: {  	s0 =	rddreg [dreg:$0x0];
	s2 =	stileid.u32  }
0x104: {  	s1 =	rddreg [dreg:$0x1];
	p0 =	sne.s32 s2, $0x0  }
0x105: {  	s3 =	rddreg [dreg:$0x2];
	[bflag:$0x3] =	sbarrier.arrive $0xFFFF;
	s2 =	simm.s32 @!p0 $0x1C05  }
0x106: {  	[timem:s3], [sflag:s2] =	dma.local @!p0 [hbm:s0], s1  }
0x107: {  	s0 =	simm.s32 @!p0 $0x5  }
0x108: {  	_ =	swait.ge @!p0 [sflag:s0], s1  }
0x109: {  	s1 =	ssub.s32 @!p0 $0x0, s1;
	[sflag:s0] =	ssyncset.done @!p0 $0x0  }
0x10a: {  	[sflag:s0] =	ssyncadd.s32 @!p0 s1  }
0x10b: {  	[bflag:$0x3] =	sbarrier.arrive $0xFFFF  }
0x10c: {  	_ =	shalt  }

</sc_bundles>
